<compile_context>
chip_gen: v7x
topology: tpu7x:2x2x1
jax: 0.10.2.dev20260603
libtpu: 0.0.44.dev20260713+nightly
codegen_flags: <defaults>
</compile_context>

<pallas_src>
import functools

import jax
import jax.numpy as jnp
from jax import lax
from jax.experimental import pallas as pl
from jax.experimental.pallas import tpu as pltpu
from jax.experimental.pallas import tpu_sc as plsc

EMBED = 16
FIELD_OFFSET = 1_000_000
HALF_STRIDE = 16_000_000


def _sc_gather_t(x_t, table_flat, n_rows):
    info = plsc.get_sparse_core_info()
    nc, ns, lanes = info.num_cores, info.num_subcores, info.num_lanes
    nw = nc * ns
    mesh = plsc.VectorSubcoreMesh(core_axis_name="c", subcore_axis_name="s")

    @functools.partial(
        pl.kernel,
        mesh=mesh,
        out_type=jax.ShapeDtypeStruct((nw, n_rows), jnp.float32),
        scratch_types=[
            pltpu.VMEM((n_rows,), jnp.int32),
            pltpu.VMEM((n_rows,), jnp.int32),
            pltpu.VMEM((n_rows,), jnp.float32),
            pltpu.SemaphoreType.DMA,
        ],
        compiler_params=pltpu.CompilerParams(
            use_tc_tiling_on_sc=True, needs_layout_passes=False),
    )
    def gather_k(x_hbm, tab_hbm, out_hbm, xrow_v, idx_v, dst_v, sem):
        w = lax.axis_index("s") * nc + lax.axis_index("c")
        field = w // EMBED
        f = w % EMBED
        pltpu.sync_copy(x_hbm.at[field], xrow_v)
        base = (f // 8) * HALF_STRIDE + (f % 8) * 128
        roff = field * FIELD_OFFSET

        chunk = 512
        n_chunks = n_rows // chunk
        groups_per_chunk = chunk // lanes

        def addr_block(j):
            def inner(t, _):
                for u in range(4):
                    sl = pl.ds(j * chunk + (t * 4 + u) * lanes, lanes)
                    r = xrow_v[sl] + roff
                    idx_v[sl] = (
                        lax.shift_left(lax.shift_right_logical(r, 7), 10)
                        + (r & 127) + base)
                return 0

            lax.fori_loop(0, groups_per_chunk // 4, inner, 0)

        addr_block(0)

        def fire_chunk(j, _):
            for k in range(chunk // 128):
                pltpu.async_copy(
                    tab_hbm.at[idx_v.at[pl.ds(j * chunk + k * 128, 128)]],
                    dst_v.at[pl.ds(j * chunk + k * 128, 128)],
                    sem,
                )

            @pl.when(j < n_chunks - 1)
            def _():
                addr_block(j + 1)

            return 0

        lax.fori_loop(0, n_chunks, fire_chunk, 0)
        pltpu.make_async_copy(
            tab_hbm.at[pl.ds(0, n_rows)], dst_v, sem).wait()
        pltpu.sync_copy(dst_v, out_hbm.at[w])

    return gather_k(x_t, table_flat)


def _tc_mlp_t(h_t, W1t, b1, W2t, b2, W3t, b3, W4t, b4):
    n_rows = h_t.shape[1]
    blk = 16384
    grid = (n_rows // blk,)

    def mlp_k(h_ref, w1, c1, w2, c2, w3, c3, w4, c4, o_ref):
        a = h_ref[...]
        a = jnp.maximum(
            jnp.dot(w1[...], a, preferred_element_type=jnp.float32) + c1[...], 0.0)
        a = jnp.maximum(
            jnp.dot(w2[...], a, preferred_element_type=jnp.float32) + c2[...], 0.0)
        a = jnp.maximum(
            jnp.dot(w3[...], a, preferred_element_type=jnp.float32) + c3[...], 0.0)
        a = jnp.maximum(
            jnp.dot(w4[...], a, preferred_element_type=jnp.float32) + c4[...], 0.0)
        o_ref[...] = a

    full = lambda arr: pl.BlockSpec(arr.shape, lambda i: (0, 0))
    return pl.pallas_call(
        mlp_k,
        grid=grid,
        in_specs=[
            pl.BlockSpec((2 * EMBED, blk), lambda i: (0, i)),
            full(W1t), full(b1), full(W2t), full(b2),
            full(W3t), full(b3), full(W4t), full(b4),
        ],
        out_specs=pl.BlockSpec((1, blk), lambda i: (0, i)),
        out_shape=jax.ShapeDtypeStruct((1, n_rows), jnp.float32),
    )(h_t, W1t, b1, W2t, b2, W3t, b3, W4t, b4)


def kernel(x, table, W1, b1, W2, b2, W3, b3, W4, b4):
    n_rows = x.shape[0]
    x_t = x.T
    table_flat = (table.T.reshape(2, 8, 15625, 128)
                  .transpose(0, 2, 1, 3).reshape(-1))
    h_t = _sc_gather_t(x_t, table_flat, n_rows)
    out_t = _tc_mlp_t(
        h_t,
        W1.T, b1.reshape(-1, 1),
        W2.T, b2.reshape(-1, 1),
        W3.T, b3.reshape(-1, 1),
        W4.T, b4.reshape(-1, 1),
    )
    return out_t.reshape(n_rows, 1)

# --- scband reference (transcript-rebuilt; emitter-appended) ---
"""Pipeline reference for scband-ncf-79809082294429 (READ-ONLY COPY).

The authoritative reference and input builder live on the scoring server;
editing this copy changes nothing except your own understanding.
"""

import jax, jax.numpy as jnp
import numpy as np

B = 16384
NUM_FIELDS = 2
FIELD_DIMS = [1000000, 1000000]
EMBED_DIM = 16


def setup_inputs(seed: int = 0) -> dict:
    key = jax.random.key(seed)
    ks = jax.random.split(key, 10)
    x = jax.random.randint(ks[0], (B, NUM_FIELDS), 0, FIELD_DIMS[0], dtype=jnp.int32)
    total_rows = sum(FIELD_DIMS)
    table = jax.random.normal(ks[1], (total_rows, EMBED_DIM), dtype=jnp.float32) * 0.01
    # MLP: input dim = embed_dim * 2 = 32; layers [32 -> 32 -> 16 -> 8 -> 1]
    W1 = jax.random.normal(ks[2], (32, 32), dtype=jnp.float32) * (1.0 / np.sqrt(32))
    b1 = jnp.zeros((32,), dtype=jnp.float32)
    W2 = jax.random.normal(ks[3], (32, 16), dtype=jnp.float32) * (1.0 / np.sqrt(32))
    b2 = jnp.zeros((16,), dtype=jnp.float32)
    W3 = jax.random.normal(ks[4], (16, 8), dtype=jnp.float32) * (1.0 / np.sqrt(16))
    b3 = jnp.zeros((8,), dtype=jnp.float32)
    W4 = jax.random.normal(ks[5], (8, 1), dtype=jnp.float32) * (1.0 / np.sqrt(8))
    b4 = jnp.zeros((1,), dtype=jnp.float32)
    return {"x": x, "table": table, "W1": W1, "b1": b1, "W2": W2, "b2": b2,
            "W3": W3, "b3": b3, "W4": W4, "b4": b4}


def reference(x, table, W1, b1, W2, b2, W3, b3, W4, b4):
    # FeaturesEmbedding: single table with per-field row offsets
    offsets = jnp.array([0] + list(np.cumsum(FIELD_DIMS)[:-1]), dtype=x.dtype)  # [0, 1000000]
    idx = x + offsets[None, :]
    e = jnp.take(table, idx, axis=0)            # [B, 2, embed_dim]
    h = e.reshape(e.shape[0], -1)               # flatten -> [B, 32]
    # MultilayerPerceptrons (eval mode: dropout = identity), relu after every layer
    h = jax.nn.relu(h @ W1 + b1)
    h = jax.nn.relu(h @ W2 + b2)
    h = jax.nn.relu(h @ W3 + b3)
    h = jax.nn.relu(h @ W4 + b4)
    return h                                     # [B, 1]

if __name__ == "__main__":
    import jax
    _d = setup_inputs()
    print(jax.jit(kernel)(*tuple(_d.values())))

</pallas_src>

<mosaic_0001>
#map = affine_map<(d0, d1) -> (0, 0)>
#map1 = affine_map<(d0, d1) -> (0)>
module attributes {stable_mosaic.version = 14 : i64} {
  func.func @gather_k(%arg0: i32, %arg1: i32, %arg2: memref<2x16384xi32, #tpu.memory_space<hbm>>, %arg3: memref<32000000xf32, #tpu.memory_space<hbm>>, %arg4: memref<32x16384xf32, #tpu.memory_space<hbm>>, %arg5: memref<16384xi32, #tpu.memory_space<vmem>>, %arg6: memref<16384xi32, #tpu.memory_space<vmem>>, %arg7: memref<16384xf32, #tpu.memory_space<vmem>>, %arg8: memref<!tpu.dma_semaphore, #tpu.memory_space<semaphore_mem>>) attributes {dimension_semantics = [#tpu.dimension_semantics<core_parallel>, #tpu.dimension_semantics<subcore_parallel>], iteration_bounds = array<i64: 2, 16>, scalar_prefetch = 0 : i64, scratch_operands = 4 : i64, tpu.core_type = #tpu.core_type<sc_vector_subcore>, window_params = [{transform_indices = #map}, {transform_indices = #map1}, {transform_indices = #map}]} {
    %mul3A = arith.constant 2 : i32
    %mul3A_0 = arith.muli %arg1, %mul3A : i32
    %add3A = arith.addi %mul3A_0, %arg0 : i32
    %jit3A = arith.constant 16 : i32
    %div3A = arith.divsi %add3A, %jit3A : i32
    %sign3A = arith.constant 0 : i32
    %sign3A_1 = arith.cmpi sgt, %add3A, %sign3A : i32
    %sign3A_2 = arith.extui %sign3A_1 : i1 to i32
    %sign3A_3 = arith.constant 0 : i32
    %sign3A_4 = arith.cmpi slt, %add3A, %sign3A_3 : i32
    %sign3A_5 = arith.extui %sign3A_4 : i1 to i32
    %sign3A_6 = arith.subi %sign3A_2, %sign3A_5 : i32
    %sign3A_7 = arith.constant 0 : i32
    %sign3A_8 = arith.cmpi sgt, %jit3A, %sign3A_7 : i32
    %sign3A_9 = arith.extui %sign3A_8 : i1 to i32
    %sign3A_10 = arith.constant 0 : i32
    %sign3A_11 = arith.cmpi slt, %jit3A, %sign3A_10 : i32
    %sign3A_12 = arith.extui %sign3A_11 : i1 to i32
    %sign3A_13 = arith.subi %sign3A_9, %sign3A_12 : i32
    %ne3A = arith.cmpi ne, %sign3A_6, %sign3A_13 : i32
    %rem3A = arith.remsi %add3A, %jit3A : i32
    %ne3A_14 = arith.constant 0 : i32
    %ne3A_15 = arith.cmpi ne, %rem3A, %ne3A_14 : i32
    %and3A = arith.andi %ne3A, %ne3A_15 : i1
    %sub3A = arith.constant 1 : i32
    %sub3A_16 = arith.subi %div3A, %sub3A : i32
    %select_n3A = arith.select %and3A, %sub3A_16, %div3A : i32
    %jit3A_17 = arith.constant 16 : i32
    %eq3A = arith.constant 0 : i32
    %eq3A_18 = arith.cmpi eq, %jit3A_17, %eq3A : i32
    %jit3A_19 = arith.constant 1 : i32
    %select_n3A_20 = arith.select %eq3A_18, %jit3A_19, %jit3A_17 : i32
    %rem3A_21 = arith.remsi %add3A, %select_n3A_20 : i32
    %ne3A_22 = arith.constant 0 : i32
    %ne3A_23 = arith.cmpi ne, %rem3A_21, %ne3A_22 : i32
    %lt3A = arith.constant 0 : i32
    %lt3A_24 = arith.cmpi slt, %rem3A_21, %lt3A : i32
    %lt3A_25 = arith.constant 0 : i32
    %lt3A_26 = arith.cmpi slt, %select_n3A_20, %lt3A_25 : i32
    %ne3A_27 = arith.xori %lt3A_24, %lt3A_26 : i1
    %and3A_28 = arith.andi %ne3A_27, %ne3A_23 : i1
    %add3A_29 = arith.addi %rem3A_21, %select_n3A_20 : i32
    %select_n3A_30 = arith.select %and3A_28, %add3A_29, %rem3A_21 : i32
    "tpu.region"() ({
      %run_scoped3A = tpu.sem_alloc : memref<!tpu.dma_semaphore, #tpu.memory_space<semaphore_mem>>
      %dma_start3A = arith.constant 0 : i32
      %dma_start3A_94 = tpu.memref_slice %arg2[%select_n3A, %dma_start3A] : memref<2x16384xi32, #tpu.memory_space<hbm>> -> memref<1x16384xi32, #tpu.memory_space<hbm>>
      %dma_start3A_95 = tpu.memref_squeeze %dma_start3A_94 : memref<1x16384xi32, #tpu.memory_space<hbm>> -> memref<16384xi32, #tpu.memory_space<hbm>>
      %dma_start3A_96 = arith.constant 0 : i32
      %dma_start3A_97 = tpu.memref_slice %arg2[%select_n3A, %dma_start3A_96] : memref<2x16384xi32, #tpu.memory_space<hbm>> -> memref<1x16384xi32, #tpu.memory_space<hbm>>
      %dma_start3A_98 = tpu.memref_squeeze %dma_start3A_97 : memref<1x16384xi32, #tpu.memory_space<hbm>> -> memref<16384xi32, #tpu.memory_space<hbm>>
      tpu.enqueue_dma source(%dma_start3A_98 : memref<16384xi32, #tpu.memory_space<hbm>>) target(%arg5 : memref<16384xi32, #tpu.memory_space<vmem>>) target_semaphore(%run_scoped3A : memref<!tpu.dma_semaphore, #tpu.memory_space<semaphore_mem>>)
      %dma_wait3A_99 = arith.constant 0 : i32
      %dma_wait3A_100 = tpu.memref_slice %arg2[%select_n3A, %dma_wait3A_99] : memref<2x16384xi32, #tpu.memory_space<hbm>> -> memref<1x16384xi32, #tpu.memory_space<hbm>>
      %dma_wait3A_101 = tpu.memref_squeeze %dma_wait3A_100 : memref<1x16384xi32, #tpu.memory_space<hbm>> -> memref<16384xi32, #tpu.memory_space<hbm>>
      %dma_wait3A_102 = arith.constant 0 : i32
      %dma_wait3A_103 = tpu.memref_slice %arg2[%select_n3A, %dma_wait3A_102] : memref<2x16384xi32, #tpu.memory_space<hbm>> -> memref<1x16384xi32, #tpu.memory_space<hbm>>
      %dma_wait3A_104 = tpu.memref_squeeze %dma_wait3A_103 : memref<1x16384xi32, #tpu.memory_space<hbm>> -> memref<16384xi32, #tpu.memory_space<hbm>>
      tpu.wait_dma2 semaphore(%run_scoped3A : memref<!tpu.dma_semaphore, #tpu.memory_space<semaphore_mem>>) src(%dma_wait3A_104 : memref<16384xi32, #tpu.memory_space<hbm>>) dst(%arg5 : memref<16384xi32, #tpu.memory_space<vmem>>)
      tpu.yield
    }) : () -> ()
    %jit3A_31 = arith.constant 8 : i32
    %div3A_32 = arith.divsi %select_n3A_30, %jit3A_31 : i32
    %sign3A_33 = arith.constant 0 : i32
    %sign3A_34 = arith.cmpi sgt, %select_n3A_30, %sign3A_33 : i32
    %sign3A_35 = arith.extui %sign3A_34 : i1 to i32
    %sign3A_36 = arith.constant 0 : i32
    %sign3A_37 = arith.cmpi slt, %select_n3A_30, %sign3A_36 : i32
    %sign3A_38 = arith.extui %sign3A_37 : i1 to i32
    %sign3A_39 = arith.subi %sign3A_35, %sign3A_38 : i32
    %sign3A_40 = arith.constant 0 : i32
    %sign3A_41 = arith.cmpi sgt, %jit3A_31, %sign3A_40 : i32
    %sign3A_42 = arith.extui %sign3A_41 : i1 to i32
    %sign3A_43 = arith.constant 0 : i32
    %sign3A_44 = arith.cmpi slt, %jit3A_31, %sign3A_43 : i32
    %sign3A_45 = arith.extui %sign3A_44 : i1 to i32
    %sign3A_46 = arith.subi %sign3A_42, %sign3A_45 : i32
    %ne3A_47 = arith.cmpi ne, %sign3A_39, %sign3A_46 : i32
    %rem3A_48 = arith.remsi %select_n3A_30, %jit3A_31 : i32
    %ne3A_49 = arith.constant 0 : i32
    %ne3A_50 = arith.cmpi ne, %rem3A_48, %ne3A_49 : i32
    %and3A_51 = arith.andi %ne3A_47, %ne3A_50 : i1
    %sub3A_52 = arith.constant 1 : i32
    %sub3A_53 = arith.subi %div3A_32, %sub3A_52 : i32
    %select_n3A_54 = arith.select %and3A_51, %sub3A_53, %div3A_32 : i32
    %mul3A_55 = arith.constant 16000000 : i32
    %mul3A_56 = arith.muli %select_n3A_54, %mul3A_55 : i32
    %jit3A_57 = arith.constant 8 : i32
    %eq3A_58 = arith.constant 0 : i32
    %eq3A_59 = arith.cmpi eq, %jit3A_57, %eq3A_58 : i32
    %jit3A_60 = arith.constant 1 : i32
    %select_n3A_61 = arith.select %eq3A_59, %jit3A_60, %jit3A_57 : i32
    %rem3A_62 = arith.remsi %select_n3A_30, %select_n3A_61 : i32
    %ne3A_63 = arith.constant 0 : i32
    %ne3A_64 = arith.cmpi ne, %rem3A_62, %ne3A_63 : i32
    %lt3A_65 = arith.constant 0 : i32
    %lt3A_66 = arith.cmpi slt, %rem3A_62, %lt3A_65 : i32
    %lt3A_67 = arith.constant 0 : i32
    %lt3A_68 = arith.cmpi slt, %select_n3A_61, %lt3A_67 : i32
    %ne3A_69 = arith.xori %lt3A_66, %lt3A_68 : i1
    %and3A_70 = arith.andi %ne3A_69, %ne3A_64 : i1
    %add3A_71 = arith.addi %rem3A_62, %select_n3A_61 : i32
    %select_n3A_72 = arith.select %and3A_70, %add3A_71, %rem3A_62 : i32
    %mul3A_73 = arith.constant 128 : i32
    %mul3A_74 = arith.muli %select_n3A_72, %mul3A_73 : i32
    %add3A_75 = arith.addi %mul3A_56, %mul3A_74 : i32
    %mul3A_76 = arith.constant 1000000 : i32
    %mul3A_77 = arith.muli %select_n3A, %mul3A_76 : i32
    %scan3A = arith.constant 0 : i32
    %scan3A_78 = arith.constant 0 : i32
    %scan3A_79 = arith.constant 8 : i32
    %scan3A_80 = arith.addi %scan3A_78, %scan3A_79 : i32
    %scan3A_81 = arith.constant 1 : i32
    %scan3A_82 = scf.for %scan3A_94 = %scan3A_78 to %scan3A_80 step %scan3A_81 iter_args(%scan3A_95 = %scan3A) -> (i32)  : i32 {
      %mul3A_96 = arith.constant 4 : i32
      %mul3A_97 = arith.muli %scan3A_94, %mul3A_96 : i32
      %add3A_98 = arith.constant 0 : i32
      %add3A_99 = arith.addi %mul3A_97, %add3A_98 : i32
      %mul3A_100 = arith.constant 16 : i32
      %mul3A_101 = arith.muli %add3A_99, %mul3A_100 : i32
      %add3A_102 = arith.constant 0 : i32
      %add3A_103 = arith.addi %add3A_102, %mul3A_101 : i32
      %get3A = arith.index_cast %add3A_103 : i32 to index
      %get3A_104 = tpu.vector_load %arg5[%get3A] {strides = array<i32>} : memref<16384xi32, #tpu.memory_space<vmem>>, vector<16xi32>,
      %add3A_105 = vector.broadcast %mul3A_77 : i32 to vector<16xi32>
      %add3A_106 = arith.addi %get3A_104, %add3A_105 : vector<16xi32>
      %shift_right_logical3A = arith.constant 7 : i32
      %shift_right_logical3A_107 = vector.broadcast %shift_right_logical3A : i32 to vector<16xi32>
      %shift_right_logical3A_108 = arith.shrui %add3A_106, %shift_right_logical3A_107 : vector<16xi32>
      %shift_left3A = arith.constant 10 : i32
      %shift_left3A_109 = vector.broadcast %shift_left3A : i32 to vector<16xi32>
      %shift_left3A_110 = arith.shli %shift_right_logical3A_108, %shift_left3A_109 : vector<16xi32>
      %and3A_111 = arith.constant 127 : i32
      %and3A_112 = vector.broadcast %and3A_111 : i32 to vector<16xi32>
      %and3A_113 = arith.andi %add3A_106, %and3A_112 : vector<16xi32>
      %add3A_114 = arith.addi %shift_left3A_110, %and3A_113 : vector<16xi32>
      %add3A_115 = vector.broadcast %add3A_75 : i32 to vector<16xi32>
      %add3A_116 = arith.addi %add3A_114, %add3A_115 : vector<16xi32>
      %swap3A = arith.index_cast %add3A_103 : i32 to index
      %swap3A_117 = tpu.vector_load %arg6[%swap3A] {strides = array<i32>} : memref<16384xi32, #tpu.memory_space<vmem>>, vector<16xi32>,
      tpu.vector_store %arg6[%swap3A], %add3A_116 {strides = array<i32>} : memref<16384xi32, #tpu.memory_space<vmem>>, vector<16xi32>,
      %mul3A_118 = arith.constant 4 : i32
      %mul3A_119 = arith.muli %scan3A_94, %mul3A_118 : i32
      %add3A_120 = arith.constant 1 : i32
      %add3A_121 = arith.addi %mul3A_119, %add3A_120 : i32
      %mul3A_122 = arith.constant 16 : i32
      %mul3A_123 = arith.muli %add3A_121, %mul3A_122 : i32
      %add3A_124 = arith.constant 0 : i32
      %add3A_125 = arith.addi %add3A_124, %mul3A_123 : i32
      %get3A_126 = arith.index_cast %add3A_125 : i32 to index
      %get3A_127 = tpu.vector_load %arg5[%get3A_126] {strides = array<i32>} : memref<16384xi32, #tpu.memory_space<vmem>>, vector<16xi32>,
      %add3A_128 = vector.broadcast %mul3A_77 : i32 to vector<16xi32>
      %add3A_129 = arith.addi %get3A_127, %add3A_128 : vector<16xi32>
      %shift_right_logical3A_130 = arith.constant 7 : i32
      %shift_right_logical3A_131 = vector.broadcast %shift_right_logical3A_130 : i32 to vector<16xi32>
      %shift_right_logical3A_132 = arith.shrui %add3A_129, %shift_right_logical3A_131 : vector<16xi32>
      %shift_left3A_133 = arith.constant 10 : i32
      %shift_left3A_134 = vector.broadcast %shift_left3A_133 : i32 to vector<16xi32>
      %shift_left3A_135 = arith.shli %shift_right_logical3A_132, %shift_left3A_134 : vector<16xi32>
      %and3A_136 = arith.constant 127 : i32
      %and3A_137 = vector.broadcast %and3A_136 : i32 to vector<16xi32>
      %and3A_138 = arith.andi %add3A_129, %and3A_137 : vector<16xi32>
      %add3A_139 = arith.addi %shift_left3A_135, %and3A_138 : vector<16xi32>
      %add3A_140 = vector.broadcast %add3A_75 : i32 to vector<16xi32>
      %add3A_141 = arith.addi %add3A_139, %add3A_140 : vector<16xi32>
      %swap3A_142 = arith.index_cast %add3A_125 : i32 to index
      %swap3A_143 = tpu.vector_load %arg6[%swap3A_142] {strides = array<i32>} : memref<16384xi32, #tpu.memory_space<vmem>>, vector<16xi32>,
      tpu.vector_store %arg6[%swap3A_142], %add3A_141 {strides = array<i32>} : memref<16384xi32, #tpu.memory_space<vmem>>, vector<16xi32>,
      %mul3A_144 = arith.constant 4 : i32
      %mul3A_145 = arith.muli %scan3A_94, %mul3A_144 : i32
      %add3A_146 = arith.constant 2 : i32
      %add3A_147 = arith.addi %mul3A_145, %add3A_146 : i32
      %mul3A_148 = arith.constant 16 : i32
      %mul3A_149 = arith.muli %add3A_147, %mul3A_148 : i32
      %add3A_150 = arith.constant 0 : i32
      %add3A_151 = arith.addi %add3A_150, %mul3A_149 : i32
      %get3A_152 = arith.index_cast %add3A_151 : i32 to index
      %get3A_153 = tpu.vector_load %arg5[%get3A_152] {strides = array<i32>} : memref<16384xi32, #tpu.memory_space<vmem>>, vector<16xi32>,
      %add3A_154 = vector.broadcast %mul3A_77 : i32 to vector<16xi32>
      %add3A_155 = arith.addi %get3A_153, %add3A_154 : vector<16xi32>
      %shift_right_logical3A_156 = arith.constant 7 : i32
      %shift_right_logical3A_157 = vector.broadcast %shift_right_logical3A_156 : i32 to vector<16xi32>
      %shift_right_logical3A_158 = arith.shrui %add3A_155, %shift_right_logical3A_157 : vector<16xi32>
      %shift_left3A_159 = arith.constant 10 : i32
      %shift_left3A_160 = vector.broadcast %shift_left3A_159 : i32 to vector<16xi32>
      %shift_left3A_161 = arith.shli %shift_right_logical3A_158, %shift_left3A_160 : vector<16xi32>
      %and3A_162 = arith.constant 127 : i32
      %and3A_163 = vector.broadcast %and3A_162 : i32 to vector<16xi32>
      %and3A_164 = arith.andi %add3A_155, %and3A_163 : vector<16xi32>
      %add3A_165 = arith.addi %shift_left3A_161, %and3A_164 : vector<16xi32>
      %add3A_166 = vector.broadcast %add3A_75 : i32 to vector<16xi32>
      %add3A_167 = arith.addi %add3A_165, %add3A_166 : vector<16xi32>
      %swap3A_168 = arith.index_cast %add3A_151 : i32 to index
      %swap3A_169 = tpu.vector_load %arg6[%swap3A_168] {strides = array<i32>} : memref<16384xi32, #tpu.memory_space<vmem>>, vector<16xi32>,
      tpu.vector_store %arg6[%swap3A_168], %add3A_167 {strides = array<i32>} : memref<16384xi32, #tpu.memory_space<vmem>>, vector<16xi32>,
      %mul3A_170 = arith.constant 4 : i32
      %mul3A_171 = arith.muli %scan3A_94, %mul3A_170 : i32
      %add3A_172 = arith.constant 3 : i32
      %add3A_173 = arith.addi %mul3A_171, %add3A_172 : i32
      %mul3A_174 = arith.constant 16 : i32
      %mul3A_175 = arith.muli %add3A_173, %mul3A_174 : i32
      %add3A_176 = arith.constant 0 : i32
      %add3A_177 = arith.addi %add3A_176, %mul3A_175 : i32
      %get3A_178 = arith.index_cast %add3A_177 : i32 to index
      %get3A_179 = tpu.vector_load %arg5[%get3A_178] {strides = array<i32>} : memref<16384xi32, #tpu.memory_space<vmem>>, vector<16xi32>,
      %add3A_180 = vector.broadcast %mul3A_77 : i32 to vector<16xi32>
      %add3A_181 = arith.addi %get3A_179, %add3A_180 : vector<16xi32>
      %shift_right_logical3A_182 = arith.constant 7 : i32
      %shift_right_logical3A_183 = vector.broadcast %shift_right_logical3A_182 : i32 to vector<16xi32>
      %shift_right_logical3A_184 = arith.shrui %add3A_181, %shift_right_logical3A_183 : vector<16xi32>
      %shift_left3A_185 = arith.constant 10 : i32
      %shift_left3A_186 = vector.broadcast %shift_left3A_185 : i32 to vector<16xi32>
      %shift_left3A_187 = arith.shli %shift_right_logical3A_184, %shift_left3A_186 : vector<16xi32>
      %and3A_188 = arith.constant 127 : i32
      %and3A_189 = vector.broadcast %and3A_188 : i32 to vector<16xi32>
      %and3A_190 = arith.andi %add3A_181, %and3A_189 : vector<16xi32>
      %add3A_191 = arith.addi %shift_left3A_187, %and3A_190 : vector<16xi32>
      %add3A_192 = vector.broadcast %add3A_75 : i32 to vector<16xi32>
      %add3A_193 = arith.addi %add3A_191, %add3A_192 : vector<16xi32>
      %swap3A_194 = arith.index_cast %add3A_177 : i32 to index
      %swap3A_195 = tpu.vector_load %arg6[%swap3A_194] {strides = array<i32>} : memref<16384xi32, #tpu.memory_space<vmem>>, vector<16xi32>,
      tpu.vector_store %arg6[%swap3A_194], %add3A_193 {strides = array<i32>} : memref<16384xi32, #tpu.memory_space<vmem>>, vector<16xi32>,
      %scan3A_196 = arith.constant 0 : i32
      scf.yield %scan3A_196 : i32
    }
    %scan3A_83 = arith.constant 8 : i32
    %scan3A_84 = arith.constant 0 : i32
    %scan3A_85 = arith.constant 0 : i32
    %scan3A_86 = arith.constant 32 : i32
    %scan3A_87 = arith.addi %scan3A_85, %scan3A_86 : i32
    %scan3A_88 = arith.constant 1 : i32
    %scan3A_89 = scf.for %scan3A_94 = %scan3A_85 to %scan3A_87 step %scan3A_88 iter_args(%scan3A_95 = %scan3A_84) -> (i32)  : i32 {
      %mul3A_96 = arith.constant 512 : i32
      %mul3A_97 = arith.muli %scan3A_94, %mul3A_96 : i32
      %add3A_98 = arith.constant 0 : i32
      %add3A_99 = arith.addi %mul3A_97, %add3A_98 : i32
      %mul3A_100 = arith.constant 512 : i32
      %mul3A_101 = arith.muli %scan3A_94, %mul3A_100 : i32
      %add3A_102 = arith.constant 0 : i32
      %add3A_103 = arith.addi %mul3A_101, %add3A_102 : i32
      %dma_start3A = tpu.memref_slice %arg7[%add3A_103] : memref<16384xf32, #tpu.memory_space<vmem>> -> memref<128xf32, #tpu.memory_space<vmem>>
      %dma_start3A_104 = tpu.memref_slice %arg6[%add3A_99] : memref<16384xi32, #tpu.memory_space<vmem>> -> memref<128xi32, #tpu.memory_space<vmem>>
      %dma_start3A_105 = arith.constant 0 : i32
      %dma_start3A_106 = tpu.memref_slice %arg3[%dma_start3A_105] : memref<32000000xf32, #tpu.memory_space<hbm>> -> memref<32000000xf32, #tpu.memory_space<hbm>>
      tpu.enqueue_indirect_dma source(%dma_start3A_106 : memref<32000000xf32, #tpu.memory_space<hbm>>) target(%dma_start3A : memref<128xf32, #tpu.memory_space<vmem>>) offsets(%dma_start3A_104 : memref<128xi32, #tpu.memory_space<vmem>>) semaphore(%arg8 : memref<!tpu.dma_semaphore, #tpu.memory_space<semaphore_mem>>)
      %mul3A_107 = arith.constant 512 : i32
      %mul3A_108 = arith.muli %scan3A_94, %mul3A_107 : i32
      %add3A_109 = arith.constant 128 : i32
      %add3A_110 = arith.addi %mul3A_108, %add3A_109 : i32
      %mul3A_111 = arith.constant 512 : i32
      %mul3A_112 = arith.muli %scan3A_94, %mul3A_111 : i32
      %add3A_113 = arith.constant 128 : i32
      %add3A_114 = arith.addi %mul3A_112, %add3A_113 : i32
      %dma_start3A_115 = tpu.memref_slice %arg7[%add3A_114] : memref<16384xf32, #tpu.memory_space<vmem>> -> memref<128xf32, #tpu.memory_space<vmem>>
      %dma_start3A_116 = tpu.memref_slice %arg6[%add3A_110] : memref<16384xi32, #tpu.memory_space<vmem>> -> memref<128xi32, #tpu.memory_space<vmem>>
      %dma_start3A_117 = arith.constant 0 : i32
      %dma_start3A_118 = tpu.memref_slice %arg3[%dma_start3A_117] : memref<32000000xf32, #tpu.memory_space<hbm>> -> memref<32000000xf32, #tpu.memory_space<hbm>>
      tpu.enqueue_indirect_dma source(%dma_start3A_118 : memref<32000000xf32, #tpu.memory_space<hbm>>) target(%dma_start3A_115 : memref<128xf32, #tpu.memory_space<vmem>>) offsets(%dma_start3A_116 : memref<128xi32, #tpu.memory_space<vmem>>) semaphore(%arg8 : memref<!tpu.dma_semaphore, #tpu.memory_space<semaphore_mem>>)
      %mul3A_119 = arith.constant 512 : i32
      %mul3A_120 = arith.muli %scan3A_94, %mul3A_119 : i32
      %add3A_121 = arith.constant 256 : i32
      %add3A_122 = arith.addi %mul3A_120, %add3A_121 : i32
      %mul3A_123 = arith.constant 512 : i32
      %mul3A_124 = arith.muli %scan3A_94, %mul3A_123 : i32
      %add3A_125 = arith.constant 256 : i32
      %add3A_126 = arith.addi %mul3A_124, %add3A_125 : i32
      %dma_start3A_127 = tpu.memref_slice %arg7[%add3A_126] : memref<16384xf32, #tpu.memory_space<vmem>> -> memref<128xf32, #tpu.memory_space<vmem>>
      %dma_start3A_128 = tpu.memref_slice %arg6[%add3A_122] : memref<16384xi32, #tpu.memory_space<vmem>> -> memref<128xi32, #tpu.memory_space<vmem>>
      %dma_start3A_129 = arith.constant 0 : i32
      %dma_start3A_130 = tpu.memref_slice %arg3[%dma_start3A_129] : memref<32000000xf32, #tpu.memory_space<hbm>> -> memref<32000000xf32, #tpu.memory_space<hbm>>
      tpu.enqueue_indirect_dma source(%dma_start3A_130 : memref<32000000xf32, #tpu.memory_space<hbm>>) target(%dma_start3A_127 : memref<128xf32, #tpu.memory_space<vmem>>) offsets(%dma_start3A_128 : memref<128xi32, #tpu.memory_space<vmem>>) semaphore(%arg8 : memref<!tpu.dma_semaphore, #tpu.memory_space<semaphore_mem>>)
      %mul3A_131 = arith.constant 512 : i32
      %mul3A_132 = arith.muli %scan3A_94, %mul3A_131 : i32
      %add3A_133 = arith.constant 384 : i32
      %add3A_134 = arith.addi %mul3A_132, %add3A_133 : i32
      %mul3A_135 = arith.constant 512 : i32
      %mul3A_136 = arith.muli %scan3A_94, %mul3A_135 : i32
      %add3A_137 = arith.constant 384 : i32
      %add3A_138 = arith.addi %mul3A_136, %add3A_137 : i32
      %dma_start3A_139 = tpu.memref_slice %arg7[%add3A_138] : memref<16384xf32, #tpu.memory_space<vmem>> -> memref<128xf32, #tpu.memory_space<vmem>>
      %dma_start3A_140 = tpu.memref_slice %arg6[%add3A_134] : memref<16384xi32, #tpu.memory_space<vmem>> -> memref<128xi32, #tpu.memory_space<vmem>>
      %dma_start3A_141 = arith.constant 0 : i32
      %dma_start3A_142 = tpu.memref_slice %arg3[%dma_start3A_141] : memref<32000000xf32, #tpu.memory_space<hbm>> -> memref<32000000xf32, #tpu.memory_space<hbm>>
      tpu.enqueue_indirect_dma source(%dma_start3A_142 : memref<32000000xf32, #tpu.memory_space<hbm>>) target(%dma_start3A_139 : memref<128xf32, #tpu.memory_space<vmem>>) offsets(%dma_start3A_140 : memref<128xi32, #tpu.memory_space<vmem>>) semaphore(%arg8 : memref<!tpu.dma_semaphore, #tpu.memory_space<semaphore_mem>>)
      %lt3A_143 = arith.constant 31 : i32
      %lt3A_144 = arith.cmpi slt, %scan3A_94, %lt3A_143 : i32
      %convert_element_type3A = arith.extui %lt3A_144 : i1 to i32
      %cond3A = arith.constant 0 : i32
      %cond3A_145 = arith.cmpi ne, %convert_element_type3A, %cond3A : i32
      scf.if %cond3A_145 {
        %add3A_147 = arith.constant 1 : i32
        %add3A_148 = arith.addi %scan3A_94, %add3A_147 : i32
        %scan3A_149 = arith.constant 0 : i32
        %scan3A_150 = arith.constant 0 : i32
        %scan3A_151 = arith.constant 8 : i32
        %scan3A_152 = arith.addi %scan3A_150, %scan3A_151 : i32
        %scan3A_153 = arith.constant 1 : i32
        %scan3A_154 = scf.for %scan3A_156 = %scan3A_150 to %scan3A_152 step %scan3A_153 iter_args(%scan3A_157 = %scan3A_149) -> (i32)  : i32 {
          %mul3A_158 = arith.constant 512 : i32
          %mul3A_159 = arith.muli %add3A_148, %mul3A_158 : i32
          %mul3A_160 = arith.constant 4 : i32
          %mul3A_161 = arith.muli %scan3A_156, %mul3A_160 : i32
          %add3A_162 = arith.constant 0 : i32
          %add3A_163 = arith.addi %mul3A_161, %add3A_162 : i32
          %mul3A_164 = arith.constant 16 : i32
          %mul3A_165 = arith.muli %add3A_163, %mul3A_164 : i32
          %add3A_166 = arith.addi %mul3A_159, %mul3A_165 : i32
          %get3A = arith.index_cast %add3A_166 : i32 to index
          %get3A_167 = tpu.vector_load %arg5[%get3A] {strides = array<i32>} : memref<16384xi32, #tpu.memory_space<vmem>>, vector<16xi32>,
          %add3A_168 = vector.broadcast %mul3A_77 : i32 to vector<16xi32>
          %add3A_169 = arith.addi %get3A_167, %add3A_168 : vector<16xi32>
          %shift_right_logical3A = arith.constant 7 : i32
          %shift_right_logical3A_170 = vector.broadcast %shift_right_logical3A : i32 to vector<16xi32>
          %shift_right_logical3A_171 = arith.shrui %add3A_169, %shift_right_logical3A_170 : vector<16xi32>
          %shift_left3A = arith.constant 10 : i32
          %shift_left3A_172 = vector.broadcast %shift_left3A : i32 to vector<16xi32>
          %shift_left3A_173 = arith.shli %shift_right_logical3A_171, %shift_left3A_172 : vector<16xi32>
          %and3A_174 = arith.constant 127 : i32
          %and3A_175 = vector.broadcast %and3A_174 : i32 to vector<16xi32>
          %and3A_176 = arith.andi %add3A_169, %and3A_175 : vector<16xi32>
          %add3A_177 = arith.addi %shift_left3A_173, %and3A_176 : vector<16xi32>
          %add3A_178 = vector.broadcast %add3A_75 : i32 to vector<16xi32>
          %add3A_179 = arith.addi %add3A_177, %add3A_178 : vector<16xi32>
          %swap3A = arith.index_cast %add3A_166 : i32 to index
          %swap3A_180 = tpu.vector_load %arg6[%swap3A] {strides = array<i32>} : memref<16384xi32, #tpu.memory_space<vmem>>, vector<16xi32>,
          tpu.vector_store %arg6[%swap3A], %add3A_179 {strides = array<i32>} : memref<16384xi32, #tpu.memory_space<vmem>>, vector<16xi32>,
          %mul3A_181 = arith.constant 512 : i32
          %mul3A_182 = arith.muli %add3A_148, %mul3A_181 : i32
          %mul3A_183 = arith.constant 4 : i32
          %mul3A_184 = arith.muli %scan3A_156, %mul3A_183 : i32
          %add3A_185 = arith.constant 1 : i32
          %add3A_186 = arith.addi %mul3A_184, %add3A_185 : i32
          %mul3A_187 = arith.constant 16 : i32
          %mul3A_188 = arith.muli %add3A_186, %mul3A_187 : i32
          %add3A_189 = arith.addi %mul3A_182, %mul3A_188 : i32
          %get3A_190 = arith.index_cast %add3A_189 : i32 to index
          %get3A_191 = tpu.vector_load %arg5[%get3A_190] {strides = array<i32>} : memref<16384xi32, #tpu.memory_space<vmem>>, vector<16xi32>,
          %add3A_192 = vector.broadcast %mul3A_77 : i32 to vector<16xi32>
          %add3A_193 = arith.addi %get3A_191, %add3A_192 : vector<16xi32>
          %shift_right_logical3A_194 = arith.constant 7 : i32
          %shift_right_logical3A_195 = vector.broadcast %shift_right_logical3A_194 : i32 to vector<16xi32>
          %shift_right_logical3A_196 = arith.shrui %add3A_193, %shift_right_logical3A_195 : vector<16xi32>
          %shift_left3A_197 = arith.constant 10 : i32
          %shift_left3A_198 = vector.broadcast %shift_left3A_197 : i32 to vector<16xi32>
          %shift_left3A_199 = arith.shli %shift_right_logical3A_196, %shift_left3A_198 : vector<16xi32>
          %and3A_200 = arith.constant 127 : i32
          %and3A_201 = vector.broadcast %and3A_200 : i32 to vector<16xi32>
          %and3A_202 = arith.andi %add3A_193, %and3A_201 : vector<16xi32>
          %add3A_203 = arith.addi %shift_left3A_199, %and3A_202 : vector<16xi32>
          %add3A_204 = vector.broadcast %add3A_75 : i32 to vector<16xi32>
          %add3A_205 = arith.addi %add3A_203, %add3A_204 : vector<16xi32>
          %swap3A_206 = arith.index_cast %add3A_189 : i32 to index
          %swap3A_207 = tpu.vector_load %arg6[%swap3A_206] {strides = array<i32>} : memref<16384xi32, #tpu.memory_space<vmem>>, vector<16xi32>,
          tpu.vector_store %arg6[%swap3A_206], %add3A_205 {strides = array<i32>} : memref<16384xi32, #tpu.memory_space<vmem>>, vector<16xi32>,
          %mul3A_208 = arith.constant 512 : i32
          %mul3A_209 = arith.muli %add3A_148, %mul3A_208 : i32
          %mul3A_210 = arith.constant 4 : i32
          %mul3A_211 = arith.muli %scan3A_156, %mul3A_210 : i32
          %add3A_212 = arith.constant 2 : i32
          %add3A_213 = arith.addi %mul3A_211, %add3A_212 : i32
          %mul3A_214 = arith.constant 16 : i32
          %mul3A_215 = arith.muli %add3A_213, %mul3A_214 : i32
          %add3A_216 = arith.addi %mul3A_209, %mul3A_215 : i32
          %get3A_217 = arith.index_cast %add3A_216 : i32 to index
          %get3A_218 = tpu.vector_load %arg5[%get3A_217] {strides = array<i32>} : memref<16384xi32, #tpu.memory_space<vmem>>, vector<16xi32>,
          %add3A_219 = vector.broadcast %mul3A_77 : i32 to vector<16xi32>
          %add3A_220 = arith.addi %get3A_218, %add3A_219 : vector<16xi32>
          %shift_right_logical3A_221 = arith.constant 7 : i32
          %shift_right_logical3A_222 = vector.broadcast %shift_right_logical3A_221 : i32 to vector<16xi32>
          %shift_right_logical3A_223 = arith.shrui %add3A_220, %shift_right_logical3A_222 : vector<16xi32>
          %shift_left3A_224 = arith.constant 10 : i32
          %shift_left3A_225 = vector.broadcast %shift_left3A_224 : i32 to vector<16xi32>
          %shift_left3A_226 = arith.shli %shift_right_logical3A_223, %shift_left3A_225 : vector<16xi32>
          %and3A_227 = arith.constant 127 : i32
          %and3A_228 = vector.broadcast %and3A_227 : i32 to vector<16xi32>
          %and3A_229 = arith.andi %add3A_220, %and3A_228 : vector<16xi32>
          %add3A_230 = arith.addi %shift_left3A_226, %and3A_229 : vector<16xi32>
          %add3A_231 = vector.broadcast %add3A_75 : i32 to vector<16xi32>
          %add3A_232 = arith.addi %add3A_230, %add3A_231 : vector<16xi32>
          %swap3A_233 = arith.index_cast %add3A_216 : i32 to index
          %swap3A_234 = tpu.vector_load %arg6[%swap3A_233] {strides = array<i32>} : memref<16384xi32, #tpu.memory_space<vmem>>, vector<16xi32>,
          tpu.vector_store %arg6[%swap3A_233], %add3A_232 {strides = array<i32>} : memref<16384xi32, #tpu.memory_space<vmem>>, vector<16xi32>,
          %mul3A_235 = arith.constant 512 : i32
          %mul3A_236 = arith.muli %add3A_148, %mul3A_235 : i32
          %mul3A_237 = arith.constant 4 : i32
          %mul3A_238 = arith.muli %scan3A_156, %mul3A_237 : i32
          %add3A_239 = arith.constant 3 : i32
          %add3A_240 = arith.addi %mul3A_238, %add3A_239 : i32
          %mul3A_241 = arith.constant 16 : i32
          %mul3A_242 = arith.muli %add3A_240, %mul3A_241 : i32
          %add3A_243 = arith.addi %mul3A_236, %mul3A_242 : i32
          %get3A_244 = arith.index_cast %add3A_243 : i32 to index
          %get3A_245 = tpu.vector_load %arg5[%get3A_244] {strides = array<i32>} : memref<16384xi32, #tpu.memory_space<vmem>>, vector<16xi32>,
          %add3A_246 = vector.broadcast %mul3A_77 : i32 to vector<16xi32>
          %add3A_247 = arith.addi %get3A_245, %add3A_246 : vector<16xi32>
          %shift_right_logical3A_248 = arith.constant 7 : i32
          %shift_right_logical3A_249 = vector.broadcast %shift_right_logical3A_248 : i32 to vector<16xi32>
          %shift_right_logical3A_250 = arith.shrui %add3A_247, %shift_right_logical3A_249 : vector<16xi32>
          %shift_left3A_251 = arith.constant 10 : i32
          %shift_left3A_252 = vector.broadcast %shift_left3A_251 : i32 to vector<16xi32>
          %shift_left3A_253 = arith.shli %shift_right_logical3A_250, %shift_left3A_252 : vector<16xi32>
          %and3A_254 = arith.constant 127 : i32
          %and3A_255 = vector.broadcast %and3A_254 : i32 to vector<16xi32>
          %and3A_256 = arith.andi %add3A_247, %and3A_255 : vector<16xi32>
          %add3A_257 = arith.addi %shift_left3A_253, %and3A_256 : vector<16xi32>
          %add3A_258 = vector.broadcast %add3A_75 : i32 to vector<16xi32>
          %add3A_259 = arith.addi %add3A_257, %add3A_258 : vector<16xi32>
          %swap3A_260 = arith.index_cast %add3A_243 : i32 to index
          %swap3A_261 = tpu.vector_load %arg6[%swap3A_260] {strides = array<i32>} : memref<16384xi32, #tpu.memory_space<vmem>>, vector<16xi32>,
          tpu.vector_store %arg6[%swap3A_260], %add3A_259 {strides = array<i32>} : memref<16384xi32, #tpu.memory_space<vmem>>, vector<16xi32>,
          %scan3A_262 = arith.constant 0 : i32
          scf.yield %scan3A_262 : i32
        }
        %scan3A_155 = arith.constant 8 : i32
      } else {
      }
      %scan3A_146 = arith.constant 0 : i32
      scf.yield %scan3A_146 : i32
    }
    %scan3A_90 = arith.constant 32 : i32
    %dma_wait3A = arith.constant 0 : i32
    %dma_wait3A_91 = tpu.memref_slice %arg3[%dma_wait3A] : memref<32000000xf32, #tpu.memory_space<hbm>> -> memref<16384xf32, #tpu.memory_space<hbm>>
    %dma_wait3A_92 = arith.constant 0 : i32
    %dma_wait3A_93 = tpu.memref_slice %arg3[%dma_wait3A_92] : memref<32000000xf32, #tpu.memory_space<hbm>> -> memref<16384xf32, #tpu.memory_space<hbm>>
    tpu.wait_dma2 semaphore(%arg8 : memref<!tpu.dma_semaphore, #tpu.memory_space<semaphore_mem>>) src(%dma_wait3A_93 : memref<16384xf32, #tpu.memory_space<hbm>>) dst(%arg7 : memref<16384xf32, #tpu.memory_space<vmem>>)
    "tpu.region"() ({
      %run_scoped3A = tpu.sem_alloc : memref<!tpu.dma_semaphore, #tpu.memory_space<semaphore_mem>>
      %dma_start3A = arith.constant 0 : i32
      %dma_start3A_94 = tpu.memref_slice %arg4[%add3A, %dma_start3A] : memref<32x16384xf32, #tpu.memory_space<hbm>> -> memref<1x16384xf32, #tpu.memory_space<hbm>>
      %dma_start3A_95 = tpu.memref_squeeze %dma_start3A_94 : memref<1x16384xf32, #tpu.memory_space<hbm>> -> memref<16384xf32, #tpu.memory_space<hbm>>
      %dma_start3A_96 = arith.constant 0 : i32
      %dma_start3A_97 = tpu.memref_slice %arg4[%add3A, %dma_start3A_96] : memref<32x16384xf32, #tpu.memory_space<hbm>> -> memref<1x16384xf32, #tpu.memory_space<hbm>>
      %dma_start3A_98 = tpu.memref_squeeze %dma_start3A_97 : memref<1x16384xf32, #tpu.memory_space<hbm>> -> memref<16384xf32, #tpu.memory_space<hbm>>
      tpu.enqueue_dma source(%arg7 : memref<16384xf32, #tpu.memory_space<vmem>>) target(%dma_start3A_98 : memref<16384xf32, #tpu.memory_space<hbm>>) target_semaphore(%run_scoped3A : memref<!tpu.dma_semaphore, #tpu.memory_space<semaphore_mem>>)
      %dma_wait3A_99 = arith.constant 0 : i32
      %dma_wait3A_100 = tpu.memref_slice %arg4[%add3A, %dma_wait3A_99] : memref<32x16384xf32, #tpu.memory_space<hbm>> -> memref<1x16384xf32, #tpu.memory_space<hbm>>
      %dma_wait3A_101 = tpu.memref_squeeze %dma_wait3A_100 : memref<1x16384xf32, #tpu.memory_space<hbm>> -> memref<16384xf32, #tpu.memory_space<hbm>>
      %dma_wait3A_102 = arith.constant 0 : i32
      %dma_wait3A_103 = tpu.memref_slice %arg4[%add3A, %dma_wait3A_102] : memref<32x16384xf32, #tpu.memory_space<hbm>> -> memref<1x16384xf32, #tpu.memory_space<hbm>>
      %dma_wait3A_104 = tpu.memref_squeeze %dma_wait3A_103 : memref<1x16384xf32, #tpu.memory_space<hbm>> -> memref<16384xf32, #tpu.memory_space<hbm>>
      tpu.wait_dma2 semaphore(%run_scoped3A : memref<!tpu.dma_semaphore, #tpu.memory_space<semaphore_mem>>) src(%arg7 : memref<16384xf32, #tpu.memory_space<vmem>>) dst(%dma_wait3A_104 : memref<16384xf32, #tpu.memory_space<hbm>>)
      tpu.yield
    }) : () -> ()
    return
  }
}

module attributes {stable_mosaic.version = 14 : i64} {
  func.func @mlp_k(%arg0: i32, %arg1: memref<32x16384xf32, #tpu.memory_space<vmem>>, %arg2: memref<32x32xf32, #tpu.memory_space<vmem>>, %arg3: memref<32x1xf32, #tpu.memory_space<vmem>>, %arg4: memref<16x32xf32, #tpu.memory_space<vmem>>, %arg5: memref<16x1xf32, #tpu.memory_space<vmem>>, %arg6: memref<8x16xf32, #tpu.memory_space<vmem>>, %arg7: memref<8x1xf32, #tpu.memory_space<vmem>>, %arg8: memref<1x8xf32, #tpu.memory_space<vmem>>, %arg9: memref<1x1xf32, #tpu.memory_space<vmem>>, %arg10: memref<1x16384xf32, #tpu.memory_space<vmem>>) attributes {dimension_semantics = [#tpu.dimension_semantics<arbitrary>], iteration_bounds = array<i64: 1>, scalar_prefetch = 0 : i64, scratch_operands = 0 : i64, tpu.core_type = #tpu.core_type<tc>, window_params = [{transform_indices = @transform_0, window_bounds = array<i64: 32, 16384>}, {pipeline_mode = #tpu.pipeline_mode<synchronous>, transform_indices = @transform_1, window_bounds = array<i64: 32, 32>}, {pipeline_mode = #tpu.pipeline_mode<synchronous>, transform_indices = @transform_2, window_bounds = array<i64: 32, 1>}, {pipeline_mode = #tpu.pipeline_mode<synchronous>, transform_indices = @transform_3, window_bounds = array<i64: 16, 32>}, {pipeline_mode = #tpu.pipeline_mode<synchronous>, transform_indices = @transform_4, window_bounds = array<i64: 16, 1>}, {pipeline_mode = #tpu.pipeline_mode<synchronous>, transform_indices = @transform_5, window_bounds = array<i64: 8, 16>}, {pipeline_mode = #tpu.pipeline_mode<synchronous>, transform_indices = @transform_6, window_bounds = array<i64: 8, 1>}, {pipeline_mode = #tpu.pipeline_mode<synchronous>, transform_indices = @transform_7, window_bounds = array<i64: 1, 8>}, {pipeline_mode = #tpu.pipeline_mode<synchronous>, transform_indices = @transform_8, window_bounds = array<i64: 1, 1>}, {transform_indices = @transform_9, window_bounds = array<i64: 1, 16384>}]} {
    %get3A = arith.constant 0 : index
    %get3A_0 = arith.constant 0 : index
    %get3A_1 = vector.load %arg1[%get3A, %get3A_0] : memref<32x16384xf32, #tpu.memory_space<vmem>>, vector<32x16384xf32>
    %get3A_2 = arith.constant 0 : index
    %get3A_3 = arith.constant 0 : index
    %get3A_4 = vector.load %arg2[%get3A_2, %get3A_3] : memref<32x32xf32, #tpu.memory_space<vmem>>, vector<32x32xf32>
    %dot_general3A = arith.constant dense<0.000000e+00> : vector<32x16384xf32>
    %dot_general3A_5 = tpu.matmul %get3A_4, %get3A_1, %dot_general3A {dimension_numbers = #tpu.dot_dimension_numbers<[1], [0], [0], [1], [0, 0, 1, 1], [], []>, transpose_lhs_hint = false} : vector<32x32xf32>, vector<32x16384xf32>, vector<32x16384xf32> -> vector<32x16384xf32>
    %get3A_6 = arith.constant 0 : index
    %get3A_7 = arith.constant 0 : index
    %get3A_8 = vector.load %arg3[%get3A_6, %get3A_7] : memref<32x1xf32, #tpu.memory_space<vmem>>, vector<32x1xf32>
    %add3A = vector.broadcast %get3A_8 : vector<32x1xf32> to vector<32x16384xf32>
    %add3A_9 = arith.addf %dot_general3A_5, %add3A : vector<32x16384xf32>
    %max3A = arith.constant 0.000000e+00 : f32
    %max3A_10 = vector.broadcast %max3A : f32 to vector<32x16384xf32>
    %max3A_11 = arith.maximumf %add3A_9, %max3A_10 : vector<32x16384xf32>
    %get3A_12 = arith.constant 0 : index
    %get3A_13 = arith.constant 0 : index
    %get3A_14 = vector.load %arg4[%get3A_12, %get3A_13] : memref<16x32xf32, #tpu.memory_space<vmem>>, vector<16x32xf32>
    %dot_general3A_15 = arith.constant dense<0.000000e+00> : vector<16x16384xf32>
    %dot_general3A_16 = tpu.matmul %get3A_14, %max3A_11, %dot_general3A_15 {dimension_numbers = #tpu.dot_dimension_numbers<[1], [0], [0], [1], [0, 0, 1, 1], [], []>, transpose_lhs_hint = false} : vector<16x32xf32>, vector<32x16384xf32>, vector<16x16384xf32> -> vector<16x16384xf32>
    %get3A_17 = arith.constant 0 : index
    %get3A_18 = arith.constant 0 : index
    %get3A_19 = vector.load %arg5[%get3A_17, %get3A_18] : memref<16x1xf32, #tpu.memory_space<vmem>>, vector<16x1xf32>
    %add3A_20 = vector.broadcast %get3A_19 : vector<16x1xf32> to vector<16x16384xf32>
    %add3A_21 = arith.addf %dot_general3A_16, %add3A_20 : vector<16x16384xf32>
    %max3A_22 = arith.constant 0.000000e+00 : f32
    %max3A_23 = vector.broadcast %max3A_22 : f32 to vector<16x16384xf32>
    %max3A_24 = arith.maximumf %add3A_21, %max3A_23 : vector<16x16384xf32>
    %get3A_25 = arith.constant 0 : index
    %get3A_26 = arith.constant 0 : index
    %get3A_27 = vector.load %arg6[%get3A_25, %get3A_26] : memref<8x16xf32, #tpu.memory_space<vmem>>, vector<8x16xf32>
    %dot_general3A_28 = arith.constant dense<0.000000e+00> : vector<8x16384xf32>
    %dot_general3A_29 = tpu.matmul %get3A_27, %max3A_24, %dot_general3A_28 {dimension_numbers = #tpu.dot_dimension_numbers<[1], [0], [0], [1], [0, 0, 1, 1], [], []>, transpose_lhs_hint = false} : vector<8x16xf32>, vector<16x16384xf32>, vector<8x16384xf32> -> vector<8x16384xf32>
    %get3A_30 = arith.constant 0 : index
    %get3A_31 = arith.constant 0 : index
    %get3A_32 = vector.load %arg7[%get3A_30, %get3A_31] : memref<8x1xf32, #tpu.memory_space<vmem>>, vector<8x1xf32>
    %add3A_33 = vector.broadcast %get3A_32 : vector<8x1xf32> to vector<8x16384xf32>
    %add3A_34 = arith.addf %dot_general3A_29, %add3A_33 : vector<8x16384xf32>
    %max3A_35 = arith.constant 0.000000e+00 : f32
    %max3A_36 = vector.broadcast %max3A_35 : f32 to vector<8x16384xf32>
    %max3A_37 = arith.maximumf %add3A_34, %max3A_36 : vector<8x16384xf32>
    %get3A_38 = arith.constant 0 : index
    %get3A_39 = arith.constant 0 : index
    %get3A_40 = vector.load %arg8[%get3A_38, %get3A_39] : memref<1x8xf32, #tpu.memory_space<vmem>>, vector<1x8xf32>
    %dot_general3A_41 = arith.constant dense<0.000000e+00> : vector<1x16384xf32>
    %dot_general3A_42 = tpu.matmul %get3A_40, %max3A_37, %dot_general3A_41 {dimension_numbers = #tpu.dot_dimension_numbers<[1], [0], [0], [1], [0, 0, 1, 1], [], []>, transpose_lhs_hint = false} : vector<1x8xf32>, vector<8x16384xf32>, vector<1x16384xf32> -> vector<1x16384xf32>
    %get3A_43 = arith.constant 0 : index
    %get3A_44 = arith.constant 0 : index
    %get3A_45 = vector.load %arg9[%get3A_43, %get3A_44] : memref<1x1xf32, #tpu.memory_space<vmem>>, vector<1x1xf32>
    %add3A_46 = vector.broadcast %get3A_45 : vector<1x1xf32> to vector<1x16384xf32>
    %add3A_47 = arith.addf %dot_general3A_42, %add3A_46 : vector<1x16384xf32>
    %max3A_48 = arith.constant 0.000000e+00 : f32
    %max3A_49 = vector.broadcast %max3A_48 : f32 to vector<1x16384xf32>
    %max3A_50 = arith.maximumf %add3A_47, %max3A_49 : vector<1x16384xf32>
    %swap3A = arith.constant 0 : index
    %swap3A_51 = arith.constant 0 : index
    %swap3A_52 = vector.load %arg10[%swap3A, %swap3A_51] : memref<1x16384xf32, #tpu.memory_space<vmem>>, vector<1x16384xf32>
    tpu.vector_store %arg10[%swap3A, %swap3A_51], %max3A_50 {strides = array<i32>} : memref<1x16384xf32, #tpu.memory_space<vmem>>, vector<1x16384xf32>,
    return
  }
  func.func @transform_0(%arg0: i32) -> (i32, i32) {
    %c0_i32 = arith.constant 0 : i32
    %c0_i32_0 = arith.constant 0 : i32
    return %c0_i32, %arg0 : i32, i32
  }
  func.func @transform_1(%arg0: i32) -> (i32, i32) {
    %c0_i32 = arith.constant 0 : i32
    %c0_i32_0 = arith.constant 0 : i32
    %c0_i32_1 = arith.constant 0 : i32
    return %c0_i32, %c0_i32_0 : i32, i32
  }
  func.func @transform_2(%arg0: i32) -> (i32, i32) {
    %c0_i32 = arith.constant 0 : i32
    %c0_i32_0 = arith.constant 0 : i32
    %c0_i32_1 = arith.constant 0 : i32
    return %c0_i32, %c0_i32_0 : i32, i32
  }
  func.func @transform_3(%arg0: i32) -> (i32, i32) {
    %c0_i32 = arith.constant 0 : i32
    %c0_i32_0 = arith.constant 0 : i32
    %c0_i32_1 = arith.constant 0 : i32
    return %c0_i32, %c0_i32_0 : i32, i32
  }
  func.func @transform_4(%arg0: i32) -> (i32, i32) {
    %c0_i32 = arith.constant 0 : i32
    %c0_i32_0 = arith.constant 0 : i32
    %c0_i32_1 = arith.constant 0 : i32
    return %c0_i32, %c0_i32_0 : i32, i32
  }
  func.func @transform_5(%arg0: i32) -> (i32, i32) {
    %c0_i32 = arith.constant 0 : i32
    %c0_i32_0 = arith.constant 0 : i32
    %c0_i32_1 = arith.constant 0 : i32
    return %c0_i32, %c0_i32_0 : i32, i32
  }
  func.func @transform_6(%arg0: i32) -> (i32, i32) {
    %c0_i32 = arith.constant 0 : i32
    %c0_i32_0 = arith.constant 0 : i32
    %c0_i32_1 = arith.constant 0 : i32
    return %c0_i32, %c0_i32_0 : i32, i32
  }
  func.func @transform_7(%arg0: i32) -> (i32, i32) {
    %c0_i32 = arith.constant 0 : i32
    %c0_i32_0 = arith.constant 0 : i32
    %c0_i32_1 = arith.constant 0 : i32
    return %c0_i32, %c0_i32_0 : i32, i32
  }
  func.func @transform_8(%arg0: i32) -> (i32, i32) {
    %c0_i32 = arith.constant 0 : i32
    %c0_i32_0 = arith.constant 0 : i32
    %c0_i32_1 = arith.constant 0 : i32
    return %c0_i32, %c0_i32_0 : i32, i32
  }
  func.func @transform_9(%arg0: i32) -> (i32, i32) {
    %c0_i32 = arith.constant 0 : i32
    %c0_i32_0 = arith.constant 0 : i32
    return %c0_i32, %arg0 : i32, i32
  }
}

</mosaic_0001>

<sc_bundles>
// kernel: kernel.4.cloned.1.call-start
scs
__scs_entry_jumppad:
0x0: {  	(pc) =	sbr.rel $0x88, $3  }
0x1: {  	(tag) =	ssettag $0x0;
	lr =	simm.s32 $0x1  }
0x2: {  	[smem:$0x3F97] =	sst lr;
	_ =	strace $0xD0000000  }
0x3: {  	_ = 	snop  }
0x4: {  	_ = 	snop  }
0x5: {  	_ = 	snop  }
0x6: {  	_ = 	snop  }
0x7: {  	_ = 	snop  }
__scs_overlays_trampoline_lowered:
0x8: {  	[smem:$0x3FA6] =	sst s0  }
0x9: {  	[smem:$0x3FA7] =	sst s1  }
0xa: {  	[smem:$0x3FA8] =	sst s2  }
0xb: {  	[smem:$0x3FA9] =	sst s3  }
0xc: {  	[smem:$0x3FAA] =	sst s4  }
0xd: {  	[smem:$0x3FAB] =	sst s5  }
0xe: {  	[smem:$0x3FAC] =	sst s6  }
0xf: {  	[smem:$0x3FAD] =	sst s7  }
0x10: {  	[smem:$0x3FAE] =	sst s8  }
0x11: {  	[smem:$0x3FAF] =	sst s9;
	s0 =	simm.s32 @!p0 $0x0  }
0x12: {  	s1 =	sld [smem:$0x3F95];
	s0 =	simm.s32 @p0 $0x1  }
0x13: {  	[smem:$0x3FB0] =	sst s0;
	s0 =	simm.s32 @!p1 $0x0  }
0x14: {  	s2 =	sld [smem:$0x3F94];
	s0 =	simm.s32 @p1 $0x1  }
0x15: {  	[smem:$0x3FB1] =	sst s0;
	s0 =	simm.s32 @!p2 $0x0  }
0x16: {  	s3 =	sld [smem:$0x3FDB];
	s0 =	simm.s32 @p2 $0x1  }
0x17: {  	s4 =	simm.s32 $0x1BF5;
	[smem:$0x3FB3] =	sst s0  }
0x18: {  	s0 =	sld [smem:$0x3F96];
	_ =	swait.ge [sflag:s4], $0x0  }
0x19: {  	s7 =	sld [smem:$0x3F97]  }
0x1a: {  	s8 =	sadd.s32 $0xFFFFE003, lr  }
0x1b: {  	s9 =	sadd.s32 $0xFFFFFEF7, lr;
	s5 =	simm.s32 $0xFFFFFFFF;
	p2 =	slt.u32 s8, $0xFFFFF086  }
0x1c: {  	p1 =	slt.u32 s9, $0xF7A;
	s5 =	simm.s32 @!p2 $0x0  }
0x1d: {  	s5 =	simm.s32 @p1 $0x1;
	p0 =	seq.s32 s7, s2  }
0x1e: {  	s7 =	smul.u32 @!p0 $0xF7A, s2;
	p2 =	seq.s32 @!p0 s5, $0x0  }
0x1f: {  	s9 =	smul.u32 $0xF7A, s1;
	s8 =	simm.s32 @!p0 $0x1BF5;
	p2 =	por !p2, p0  }
0x20: {  	[sflag:s8] =	ssyncset.s32 @!p0 $0xFFFFF086;
	s6 =	sadd.s32 @!p0 s3, s7;
	s7 =	simm.s32 @!p0 $0x108  }
0x21: {  	s3 =	sadd.s32 s3, s9;
	s6 =	sadd.s32 @!p0 $0x88, s6;
	s7 =	simm.s32 @p2 $0x1082  }
0x22: {  	[simem:s7], [sflag:s8] =	dma.local @!p0 [hbm:s6], $0xF7A  }
0x23: {  	s9 =	sor.u32 $0xD0000000, s2;
	s6 =	simm.s32 $0x108;
	_ =	swait.ge @!p0 [sflag:s8], $0x0  }
0x24: {  	s3 =	sadd.s32 $0x88, s3;
	s6 =	simm.s32 @!p1 $0x1082;
	[sflag:s4] =	ssyncset.s32 $0xFFFFF086  }
0x25: {  	[simem:s6], [sflag:s4] =	dma.local [hbm:s3], $0xF7A  }
0x26: {  	[smem:$0x3F97] =	sst s1;
	(tag) =	ssettag s2;
	_ =	strace s9  }
0x27: {  	s1 =	sld [smem:$0x3FA7]  }
0x28: {  	s2 =	sld [smem:$0x3FA8]  }
0x29: {  	s4 =	sld [smem:$0x3FAA]  }
0x2a: {  	p0 =	seq.s32 s5, $0x0;
	s5 =	sld [smem:$0x3FAB]  }
0x2b: {  	s6 =	sld [smem:$0x3FAC]  }
0x2c: {  	s7 =	sld [smem:$0x3FAD]  }
0x2d: {  	s3 =	simm.s32 $0x108;
	s8 =	sld [smem:$0x3FAE]  }
0x2e: {  	s3 =	simm.s32 @!p0 $0x1082;
	s9 =	sld [smem:$0x3FAF]  }
0x2f: {  	lr =	sadd.s32 s0, s3;
	s0 =	sld [smem:$0x3FA6]  }
0x30: {  	s3 =	sld [smem:$0x3FA9]  }
0x31: {  	[smem:$0x3FB2] =	sst s10  }
0x32: {  	s10 =	sld [smem:$0x3FB0];
	_ =	sdelay $0x3  }
0x33: {  	p0 =	seq.s32 s10, $0x1;
	s10 =	sld [smem:$0x3FB2];
	_ =	sdelay $0x3  }
0x34: {  	[smem:$0x3FB2] =	sst s10  }
0x35: {  	s10 =	sld [smem:$0x3FB1];
	_ =	sdelay $0x3  }
0x36: {  	p1 =	seq.s32 s10, $0x1;
	s10 =	sld [smem:$0x3FB2];
	_ =	sdelay $0x3  }
0x37: {  	[smem:$0x3FB2] =	sst s10  }
0x38: {  	s10 =	sld [smem:$0x3FB3]  }
0x39: {  	_ = 	snop;
	(pc) =	sbr.ind lr, $3  }
0x3a: {  	_ = 	snop  }
0x3b: {  	_ = 	snop  }
0x3c: {  	p2 =	seq.s32 s10, $0x1;
	s10 =	sld [smem:$0x3FB2]  }
0x3d: {  	_ =	shalt  }
0x3e: {  	_ =	shalt  }
0x3f: {  	_ =	shalt  }
0x40: {  	_ =	shalt  }
0x41: {  	_ =	shalt  }
0x42: {  	_ =	shalt  }
0x43: {  	_ =	shalt  }
0x44: {  	_ =	shalt  }
0x45: {  	_ =	shalt  }
0x46: {  	_ =	shalt  }
0x47: {  	_ =	shalt  }
0x48: {  	_ =	shalt  }
0x49: {  	_ =	shalt  }
0x4a: {  	_ =	shalt  }
0x4b: {  	_ =	shalt  }
0x4c: {  	_ =	shalt  }
0x4d: {  	_ =	shalt  }
0x4e: {  	_ =	shalt  }
0x4f: {  	_ =	shalt  }
0x50: {  	_ =	shalt  }
0x51: {  	_ =	shalt  }
0x52: {  	_ =	shalt  }
0x53: {  	_ =	shalt  }
0x54: {  	_ =	shalt  }
0x55: {  	_ =	shalt  }
0x56: {  	_ =	shalt  }
0x57: {  	_ =	shalt  }
0x58: {  	_ =	shalt  }
0x59: {  	_ =	shalt  }
0x5a: {  	_ =	shalt  }
0x5b: {  	_ =	shalt  }
0x5c: {  	_ =	shalt  }
0x5d: {  	_ =	shalt  }
0x5e: {  	_ =	shalt  }
0x5f: {  	_ =	shalt  }
0x60: {  	_ =	shalt  }
0x61: {  	_ =	shalt  }
0x62: {  	_ =	shalt  }
0x63: {  	_ =	shalt  }
0x64: {  	_ =	shalt  }
0x65: {  	_ =	shalt  }
0x66: {  	_ =	shalt  }
0x67: {  	_ =	shalt  }
0x68: {  	_ =	shalt  }
0x69: {  	_ =	shalt  }
0x6a: {  	_ =	shalt  }
0x6b: {  	_ =	shalt  }
0x6c: {  	_ =	shalt  }
0x6d: {  	_ =	shalt  }
0x6e: {  	_ =	shalt  }
0x6f: {  	_ =	shalt  }
0x70: {  	_ =	shalt  }
0x71: {  	_ =	shalt  }
0x72: {  	_ =	shalt  }
0x73: {  	_ =	shalt  }
0x74: {  	_ =	shalt  }
0x75: {  	_ =	shalt  }
0x76: {  	_ =	shalt  }
0x77: {  	_ =	shalt  }
0x78: {  	_ =	shalt  }
0x79: {  	_ =	shalt  }
0x7a: {  	_ =	shalt  }
0x7b: {  	_ =	shalt  }
0x7c: {  	_ =	shalt  }
0x7d: {  	_ =	shalt  }
0x7e: {  	_ =	shalt  }
0x7f: {  	_ =	shalt  }
0x80: {  	_ =	shalt  }
0x81: {  	_ =	shalt  }
0x82: {  	_ =	shalt  }
0x83: {  	_ =	shalt  }
0x84: {  	_ =	shalt  }
0x85: {  	_ =	shalt  }
0x86: {  	_ =	shalt  }
0x87: {  	_ =	shalt  }
.Lfunc_end0:
.L_simem_size_0:
called_computation_lowered:
.L_overlay_start_0:
0x88: {  	s2 =	sld [smem:$0x3FD9]  }
0x89: {  	s3 =	sld [smem:$0x3FFE];
	_ =	sdelay $0x1  }
0x8a: {  	s1 =	srdreg.scid  }
0x8b: {  	s0 =	sand.u32 $0x1, s1  }
0x8c: {  	s17 =	sshll.u32 s0, $0xA;
	s2 =	sadd.s32 s3, s2  }
0x8d: {  	s2 =	sadd.s32 s2, s17  }
0x8e: {  	[smem:$0x3FBE] =	sst s2  }
0x8f: {  	_ = 	snop  }
0x90: {  	s2 =	sld [smem:$0x3FC9]  }
0x91: {  	s18 =	sld [smem:$0x3FC8];
	(tm) =	ssettm $0x1  }
0x92: {  	s4 =	sld [smem:$0x3FFB];
	_ =	sdelay $0x3  }
0x93: {  	_ =	strace s4  }
0x94: {  	s4 =	sld [smem:$0x3FFC];
	_ =	sdelay $0x3  }
0x95: {  	_ =	strace s4  }
0x96: {  	s4 =	sld [smem:$0x3FFD];
	_ =	sdelay $0x3  }
0x97: {  	_ =	strace s4  }
0x98: {  	_ =	strace $0x8FFFFFFF  }
0x99: {  	s19 =	sld [smem:$0x3FDB];
	_ =	sdelay $0x1  }
0x9a: {  	s5 =	simm.s32 $_scs_section_size  }
0x9b: {  	s6 =	simm.s32 $_size__tile_overlayer_lowered;
	s7 =	simm.s32 $_tile_overlayer_lowered  }
0x9c: {  	s22 =	simm.s32 $0x1BFF;
	s21 =	sshll.u32 s7, $0x1;
	s4 =	sadd.s32 s5, s19  }
0x9d: {  	s8 =	simm.s32 $0x0;
	s20 =	sshll.u32 s6, $0x1;
	s6 =	sadd.s32 s21, s4  }
0x9e: {  	[timem:s8], [sflag:s22] =	dma.local [hbm:s6], s20  }
0x9f: {  	_ =	swait.ge [sflag:s22], s20  }
0xa0: {  	s5 =	ssub.s32 $0x0, s20;
	[sflag:s22] =	ssyncset.done $0x0  }
0xa1: {  	[sflag:s22] =	ssyncadd.s32 s5;
	_ =	sdelay $0x1  }
0xa2: {  	s23 =	simm.s32 $0x1B8B  }
0xa3: {  	_ =	swait.ge [sflag:s23], $0x1  }
0xa4: {  	[sflag:s23] =	ssyncset.done $0x0  }
0xa5: {  	s25 =	simm.s32 $0x1B8E;
	s24 =	sld [smem:$0x3FFE];
	[sflag:s23] =	ssyncadd.s32 $0xFFFFFFFF  }
0xa6: {  	s26 =	simm.s32 $execute0_lowered;
	[smem:$0x3FD2] =	sst s25  }
0xa7: {  	s6 =	sshll.u32 s26, $0x1;
	_ =	strace $0x80000046;
	[dreg:$0x1] =	wrdreg $0xFFFFFFFF  }
0xa8: {  	s28 =	simm.s32 $_size_execute0_lowered;
	s4 =	sadd.s32 s4, s6;
	[dreg:$0x0] =	wrdreg $0x0  }
0xa9: {  	s6 =	sshll.u32 s28, $0x1;
	[dreg:$0x2] =	wrdreg s4  }
0xaa: {  	[dreg:$0x3] =	wrdreg s6  }
0xab: {  	[dreg:$0x4] =	wrdreg $0xC0  }
0xac: {  	_ =	task [dreg:s8], $0x5FFFF  }
0xad: {  	[dreg:$0x1] =	wrdreg $0xFFFFFFFF  }
0xae: {  	[dreg:$0x0] =	wrdreg $0x60  }
0xaf: {  	[dreg:$0x2] =	wrdreg s2  }
0xb0: {  	[dreg:$0x3] =	wrdreg s18  }
0xb1: {  	[dreg:$0x4] =	wrdreg s24  }
0xb2: {  	[dreg:$0x5] =	wrdreg $0x9  }
0xb3: {  	_ =	task.clear_ibuf [dreg:s8], $0x6FFFF;
	_ =	strace $0x90000046  }
0xb4: {  	s29 =	simm.s32 $0x9;
	_ =	strace $0x80000048  }
0xb5: {  	_ =	swait.ge [sflag:s29], $0x1  }
0xb6: {  	[sflag:s29] =	ssyncadd.s32 $0xFFFFFFFF  }
0xb7: {  	_ =	strace $0x90000048  }
0xb8: {  	_ =	sfence  }
0xb9: {  	s30 =	sld [smem:$0x0];
	_ =	sdelay $0x2  }
0xba: {  	s31 =	sshll.u32 s1, $0xD;
	s1 =	sshrl.u32 s1, $0x2  }
0xbb: {  	s3 =	sand.u32 $0x4000, s31;
	s1 =	sadd.s32 s1, s30  }
0xbc: {  	s0 =	sor.u32 s3, s0;
	s1 =	sshll.u32 s1, $0x11  }
0xbd: {  	s0 =	sor.u32 s1, s0  }
0xbe: {  	s0 =	sadd.s32 $0x8F2B, s0  }
0xbf: {  	[sflag:s0] =	ssyncadd.remote.s32 $0x1  }
0xc0: {  	_ =	sfence.sel $0xFFFF  }
0xc1: {  	[dreg:$0x0] =	wrdreg $0xFFFFFFFF;
	(pc) =	sbr.abs _section_cstart, $3  }
0xc2: {  	[dreg:$0x1] =	wrdreg $0xFFFFFFFF  }
0xc3: {  	_ =	task.clear_ibuf [dreg:s8], $0x2FFFF;
	_ =	strace $0x9FFFFFFF  }
0xc4: {  	(tm) =	ssettm $0x7FFFFFFF  }
0xc5: {  	_ =	shalt  }
tec
execute0_lowered:
.L_overlay_start_1:
0x0: {  	(tag) =	ssettag $0x1  }
0x1: {  	s4 =	rddreg [dreg:$0x0]  }
0x2: {  	s2 =	rddreg [dreg:$0x1]  }
0x3: {  	s5 =	rddreg [dreg:$0x2];
	s3 =	srdreg.scid  }
0x4: {  	s1 =	stileid.u32;
	s0 =	rddreg [dreg:$0x3];
	s13 =	simm.s32 $0x0  }
0x5: {  	s6 =	sand.u32 $0x1, s3;
	s26 =	sshll.u32 s1, $0x8;
	s9 =	sshll.u32 s1, $0xF  }
0x6: {  	s3 =	simm.s32 $0x0;
	s29 =	sshll.u32 s1, $0x1D;
	s10 =	sshrl.u32 s1, $0x3  }
0x7: {  	s7 =	sshll.u32 s6, $0x7;
	s8 =	sand.u32 $0x300, s26;
	s28 =	sand.u32 $0x60000, s9  }
0x8: {  	[smem:$0x7FF] =	sst s3;
	s6 =	ssub.s32 $0x2, s6;
	s31 =	sshll.u32 s10, $0x4  }
0x9: {  	s12 =	smul.u32 $0xF4240, s10;
	s9 =	simm.s32 $0x2;
	s7 =	sor.u32 s7, s8  }
0xa: {  	s10 =	simm.s32 $0x1;
	_ =	strace $0x80000047;
	s8 =	sor.u32 s28, s7  }
.Ltmp0:
0xb: {  	s30 =	sshrl.u32 s6, $0x1;
	s8 =	sshrl.u32 s8, $0x3;
	(pc) =	sbr.rel .LBB2_1-.Ltmp0, $4  }
0xc: {  	s4 =	sadd.s32 s4, s31;
	s5 =	sadd.s32 s8, s5;
	s8 =	sshra.s32 s29, $0x1F  }
0xd: {  	s6 =	ssub.s32 s6, s30;
	v0 =	vmov s12;
	s12 =	simm.s32 $0x8000;
	s8 =	sand.u32 $0xF42400, s8  }
0xe: {  	s6 =	smax.u32 s6, $0x1;
	s5 =	sadd.s32 $0x1400, s5;
	s11 =	sor.u32 s8, s7  }
0xf: {  	s7 =	simm.s32 $0x80;
	s8 =	simm.s32 $0x100;
	v1 =	vmov s11;
	s11 =	simm.s32 $0x400  }
.LBB2_8:
0x10: {  	_ =	swait.ge [sflag:s10], $0x4000;
	s13 =	sadd.s32 $0x1, s13  }
0x11: {  	[sflag:s10] =	ssyncset.done $0x0;
	p0 =	sne.s32 s13, s6  }
.Ltmp1:
0x12: {  	[sflag:s10] =	ssyncadd.s32 $0xFFFFC000;
	(pc) =	sbr.rel @!p0 .LBB2_9-.Ltmp1, $4  }
0x13: {  	[hbm4b:s5+s7] =	stream.strided.scatter [tilespmem:s12], [sflag:$0x2], $0x4000, s11, s7, $0x38;
	[tilespmem:$0xC000] =	vst v63  }
0x14: {  	_ =	swait.ge [sflag:s9], $0x4000  }
0x15: {  	[sflag:s9] =	ssyncset.done $0x0  }
0x16: {  	[sflag:s9] =	ssyncadd.s32 $0xFFFFC000  }
.LBB2_1:
0x17: {  	[tilespmem:s3], [sflag:$0x2] =	stream.strided.gather [hbm4b:s4+s7], $0x4000, s8, s7, $0x38;
	[tilespmem:$0xC000] =	vst v63  }
0x18: {  	_ =	swait.ge [sflag:s9], $0x4000  }
0x19: {  	[sflag:s9] =	ssyncset.done $0x0  }
0x1a: {  	s14 =	simm.s32 $0x0;
	[sflag:s9] =	ssyncadd.s32 $0xFFFFC000  }
0x1b: {  	v2 =	vld [tilespmem:s14+$0x30];
	_ =	sdelay $0x3  }
0x1c: {  	v3 =	vld [tilespmem:s14+$0x0]  }
0x1d: {  	v4 =	vld [tilespmem:s14+$0x10];
	v2 =	vadd.s32 v0, v2  }
0x1e: {  	v5 =	vshll.u32 v2, $0x3;
	v6 =	vand.u32 $0x7F, v2;
	v2 =	vld [tilespmem:s14+$0x20];
	_ =	sdelay $0x2  }
0x1f: {  	v3 =	vadd.s32 v0, v3  }
0x20: {  	s15 =	simm.s32 $0x40;
	s16 =	simm.s32 $0x200;
	v4 =	vadd.s32 v0, v4;
	v5 =	vand.u32 $0xFFFFFC00, v5;
	v6 =	vor.u32 v1, v6  }
.LBB2_2:
0x21: {  	p0 =	sne.s32 s16, $0x700;
	v7 =	vld [tilespmem:s15+$0x30];
	v8 =	vshll.u32 v3, $0x3;
	v2 =	vadd.s32 v0, v2;
	v5 =	vadd.s32 v5, v6  }
0x22: {  	v3 =	vand.u32 $0x7F, v3;
	v9 =	vshll.u32 v4, $0x3;
	v4 =	vand.u32 $0x7F, v4;
	v6 =	vld [tilespmem:s15+$0x0];
	[tilespmem:s14+$0x4030] =	vst v5  }
0x23: {  	v8 =	vand.u32 $0xFFFFFC00, v8;
	v10 =	vshll.u32 v2, $0x3;
	v11 =	vand.u32 $0x7F, v2;
	v5 =	vld [tilespmem:s15+$0x10]  }
.Ltmp2:
0x24: {  	v3 =	vor.u32 v1, v3;
	v9 =	vand.u32 $0xFFFFFC00, v9;
	v4 =	vor.u32 v1, v4;
	v2 =	vld [tilespmem:s15+$0x20];
	(pc) =	sbr.rel @p0 .LBB2_2-.Ltmp2, $4  }
0x25: {  	v3 =	vadd.s32 v8, v3;
	v8 =	vand.u32 $0xFFFFFC00, v10;
	v10 =	vor.u32 v1, v11  }
0x26: {  	v4 =	vadd.s32 v9, v4;
	v8 =	vadd.s32 v8, v10;
	v7 =	vadd.s32 v0, v7;
	[tilespmem:s14+$0x4000] =	vst v3  }
0x27: {  	v3 =	vadd.s32 v0, v6;
	v6 =	vshll.u32 v7, $0x3;
	v7 =	vand.u32 $0x7F, v7;
	[tilespmem:s14+$0x4010] =	vst v4  }
0x28: {  	v4 =	vadd.s32 v0, v5;
	v5 =	vand.u32 $0xFFFFFC00, v6;
	v6 =	vor.u32 v1, v7;
	[tilespmem:s14+$0x4020] =	vst v8;
	s14 =	smov.u32 s15;
	s15 =	sshra.s32 s16, $0x2;
	s16 =	sadd.s32 $0x100, s16  }
0x29: {  	v7 =	vld [tilespmem:s15+$0x30];
	v5 =	vadd.s32 v5, v6  }
0x2a: {  	v52 =	vld [tilespmem:s15+$0x0];
	v8 =	vshll.u32 v3, $0x3;
	v2 =	vadd.s32 v0, v2;
	v3 =	vand.u32 $0x7F, v3  }
0x2b: {  	v53 =	vshll.u32 v4, $0x3;
	v54 =	vand.u32 $0x7F, v4;
	[tilespmem:s14+$0x4030] =	vst v5;
	v8 =	vand.u32 $0xFFFFFC00, v8  }
0x2c: {  	v10 =	vshll.u32 v2, $0x3;
	v2 =	vand.u32 $0x7F, v2;
	v3 =	vor.u32 v1, v3;
	v9 =	vld [tilespmem:s15+$0x10]  }
0x2d: {  	v5 =	vand.u32 $0xFFFFFC00, v53;
	v4 =	vor.u32 v1, v54;
	v11 =	vld [tilespmem:s15+$0x20];
	v3 =	vadd.s32 v8, v3  }
0x2e: {  	v55 =	vand.u32 $0xFFFFFC00, v10;
	v2 =	vor.u32 v1, v2;
	v4 =	vadd.s32 v5, v4  }
0x2f: {  	v2 =	vadd.s32 v55, v2;
	v7 =	vadd.s32 v0, v7;
	v56 =	vadd.s32 v0, v52  }
0x30: {  	v57 =	vshll.u32 v7, $0x3;
	v7 =	vand.u32 $0x7F, v7;
	v59 =	vshll.u32 v56, $0x3  }
0x31: {  	v5 =	vand.u32 $0x7F, v56;
	v58 =	vadd.s32 v0, v9;
	v6 =	vand.u32 $0xFFFFFC00, v57  }
0x32: {  	[tilespmem:s14+$0x4000] =	vst v3;
	v7 =	vor.u32 v1, v7;
	v3 =	vadd.s32 v0, v11;
	v62 =	vand.u32 $0xFFFFFC00, v59  }
0x33: {  	[tilespmem:s14+$0x4010] =	vst v4;
	v5 =	vor.u32 v1, v5;
	v6 =	vadd.s32 v6, v7;
	v60 =	vshll.u32 v58, $0x3  }
0x34: {  	[tilespmem:s14+$0x4020] =	vst v2;
	v61 =	vand.u32 $0x7F, v58;
	v2 =	vshll.u32 v3, $0x3;
	v3 =	vand.u32 $0x7F, v3  }
0x35: {  	v5 =	vadd.s32 v62, v5;
	[tilespmem:s15+$0x4030] =	vst v6;
	v4 =	vand.u32 $0xFFFFFC00, v60;
	v63 =	vor.u32 v1, v61  }
0x36: {  	v2 =	vand.u32 $0xFFFFFC00, v2;
	v3 =	vor.u32 v1, v3;
	[tilespmem:s15+$0x4000] =	vst v5;
	v4 =	vadd.s32 v4, v63  }
0x37: {  	s16 =	simm.s32 $0x4200;
	v2 =	vadd.s32 v2, v3;
	[tilespmem:s15+$0x4010] =	vst v4  }
0x38: {  	s17 =	simm.s32 $0x0;
	s14 =	simm.s32 $0x0;
	[tilespmem:s15+$0x4020] =	vst v2;
	s15 =	simm.s32 $0x230  }
.LBB2_4:
0x39: {  	s18 =	sshll.u32 s17, $0x9  }
0x3a: {  	s19 =	sadd.s32 $0x8000, s18;
	s20 =	sadd.s32 $0x4000, s18  }
0x3b: {  	[tilespmem:s19], [sflag:$0x1] =	stream.indirect.gather [hbm4b:s2+s7], $0x1, s20, s7, $0xb8;
	[tilespmem:$0xC000] =	vst v63  }
0x3c: {  	p0 =	seq.s32 s17, $0x1F;
	s26 =	sadd.s32 $0x8080, s18;
	s28 =	sadd.s32 $0x4080, s18  }
0x3d: {  	[tilespmem:s26], [sflag:$0x1] =	stream.indirect.gather [hbm4b:s2+s7], $0x1, s28, s7, $0xb8;
	[tilespmem:$0xC000] =	vst v63  }
.Ltmp3:
0x3e: {  	_ = 	snop;
	(pc) =	sbr.rel @p0 .LBB2_8-.Ltmp3, $4  }
0x3f: {  	s29 =	sadd.s32 $0x8100, s18;
	s30 =	sadd.s32 $0x4100, s18  }
0x40: {  	[tilespmem:s29], [sflag:$0x1] =	stream.indirect.gather [hbm4b:s2+s7], $0x1, s30, s7, $0xb8;
	[tilespmem:$0xC000] =	vst v63  }
0x41: {  	s31 =	sadd.s32 $0x8180, s18;
	s18 =	sadd.s32 $0x4180, s18  }
0x42: {  	[tilespmem:s31], [sflag:$0x1] =	stream.indirect.gather [hbm4b:s2+s7], $0x1, s18, s7, $0xb8;
	[tilespmem:$0xC000] =	vst v63  }
0x43: {  	s18 =	sshra.s32 s14, $0x2  }
0x44: {  	s19 =	sadd.s32 s18, s15  }
0x45: {  	v2 =	vld [tilespmem:s19+$0xFFFFFFD0];
	_ =	sdelay $0x4  }
0x46: {  	v2 =	vadd.s32 v0, v2  }
0x47: {  	v3 =	vshll.u32 v2, $0x3;
	v2 =	vand.u32 $0x7F, v2  }
0x48: {  	v3 =	vand.u32 $0xFFFFFC00, v3;
	v2 =	vor.u32 v1, v2  }
0x49: {  	s18 =	sadd.s32 s18, s16;
	v2 =	vadd.s32 v3, v2  }
0x4a: {  	[tilespmem:s18+$0x0] =	vst v2  }
0x4b: {  	v2 =	vld [tilespmem:s19+$0xFFFFFFE0];
	_ =	sdelay $0x4  }
0x4c: {  	v2 =	vadd.s32 v0, v2  }
0x4d: {  	v3 =	vshll.u32 v2, $0x3;
	v2 =	vand.u32 $0x7F, v2  }
0x4e: {  	v3 =	vand.u32 $0xFFFFFC00, v3;
	v2 =	vor.u32 v1, v2  }
0x4f: {  	v2 =	vadd.s32 v3, v2  }
0x50: {  	[tilespmem:s18+$0x10] =	vst v2  }
0x51: {  	v2 =	vld [tilespmem:s19+$0xFFFFFFF0];
	_ =	sdelay $0x4  }
0x52: {  	v2 =	vadd.s32 v0, v2  }
0x53: {  	v3 =	vshll.u32 v2, $0x3;
	v2 =	vand.u32 $0x7F, v2  }
0x54: {  	v3 =	vand.u32 $0xFFFFFC00, v3;
	v2 =	vor.u32 v1, v2  }
0x55: {  	v2 =	vadd.s32 v3, v2  }
0x56: {  	[tilespmem:s18+$0x20] =	vst v2  }
0x57: {  	v2 =	vld [tilespmem:s19+$0x0];
	_ =	sdelay $0x4  }
0x58: {  	v2 =	vadd.s32 v0, v2  }
0x59: {  	v3 =	vshll.u32 v2, $0x3;
	v2 =	vand.u32 $0x7F, v2  }
0x5a: {  	s31 =	sadd.s32 $0x100, s14;
	v3 =	vand.u32 $0xFFFFFC00, v3;
	v2 =	vor.u32 v1, v2  }
0x5b: {  	s20 =	sshra.s32 s31, $0x2;
	s19 =	sadd.s32 $0x100, s31;
	v2 =	vadd.s32 v3, v2  }
.LBB2_6:
0x5c: {  	p0 =	sne.s32 s19, $0x700;
	s21 =	sadd.s32 s20, s15;
	[tilespmem:s18+$0x30] =	vst v2  }
0x5d: {  	v2 =	vld [tilespmem:s21+$0xFFFFFFD0];
	_ =	sdelay $0x4  }
0x5e: {  	v2 =	vadd.s32 v0, v2  }
0x5f: {  	v3 =	vshll.u32 v2, $0x3;
	v2 =	vand.u32 $0x7F, v2  }
0x60: {  	v3 =	vand.u32 $0xFFFFFC00, v3;
	v2 =	vor.u32 v1, v2  }
0x61: {  	s18 =	sadd.s32 s20, s16;
	v2 =	vadd.s32 v3, v2  }
0x62: {  	[tilespmem:s18+$0x0] =	vst v2  }
0x63: {  	v2 =	vld [tilespmem:s21+$0xFFFFFFE0];
	_ =	sdelay $0x4  }
0x64: {  	v2 =	vadd.s32 v0, v2  }
0x65: {  	v3 =	vshll.u32 v2, $0x3;
	v2 =	vand.u32 $0x7F, v2  }
0x66: {  	v3 =	vand.u32 $0xFFFFFC00, v3;
	v2 =	vor.u32 v1, v2  }
0x67: {  	v2 =	vadd.s32 v3, v2  }
0x68: {  	[tilespmem:s18+$0x10] =	vst v2  }
0x69: {  	v2 =	vld [tilespmem:s21+$0xFFFFFFF0];
	_ =	sdelay $0x4  }
0x6a: {  	v2 =	vadd.s32 v0, v2  }
0x6b: {  	v3 =	vshll.u32 v2, $0x3;
	v2 =	vand.u32 $0x7F, v2  }
0x6c: {  	v3 =	vand.u32 $0xFFFFFC00, v3;
	v2 =	vor.u32 v1, v2  }
0x6d: {  	v2 =	vadd.s32 v3, v2  }
0x6e: {  	[tilespmem:s18+$0x20] =	vst v2  }
0x6f: {  	v2 =	vld [tilespmem:s21+$0x0];
	_ =	sdelay $0x3  }
.Ltmp4:
0x70: {  	(pc) =	sbr.rel @p0 .LBB2_6-.Ltmp4, $4  }
0x71: {  	v2 =	vadd.s32 v0, v2  }
0x72: {  	v3 =	vshll.u32 v2, $0x3;
	v2 =	vand.u32 $0x7F, v2  }
0x73: {  	v3 =	vand.u32 $0xFFFFFC00, v3;
	v2 =	vor.u32 v1, v2  }
0x74: {  	s20 =	sshra.s32 s19, $0x2;
	s19 =	sadd.s32 $0x100, s19;
	v2 =	vadd.s32 v3, v2  }
0x75: {  	s19 =	sadd.s32 s20, s15;
	[tilespmem:s18+$0x30] =	vst v2  }
0x76: {  	v2 =	vld [tilespmem:s19+$0xFFFFFFD0];
	_ =	sdelay $0x4  }
0x77: {  	v2 =	vadd.s32 v0, v2  }
0x78: {  	v3 =	vshll.u32 v2, $0x3;
	v2 =	vand.u32 $0x7F, v2  }
0x79: {  	v3 =	vand.u32 $0xFFFFFC00, v3;
	v2 =	vor.u32 v1, v2  }
0x7a: {  	s31 =	sadd.s32 s20, s16;
	v2 =	vadd.s32 v3, v2  }
0x7b: {  	[tilespmem:s31+$0x0] =	vst v2  }
0x7c: {  	v2 =	vld [tilespmem:s19+$0xFFFFFFE0];
	_ =	sdelay $0x4  }
0x7d: {  	v2 =	vadd.s32 v0, v2  }
0x7e: {  	v3 =	vshll.u32 v2, $0x3;
	v2 =	vand.u32 $0x7F, v2  }
0x7f: {  	v3 =	vand.u32 $0xFFFFFC00, v3;
	v2 =	vor.u32 v1, v2  }
0x80: {  	v2 =	vadd.s32 v3, v2  }
0x81: {  	[tilespmem:s31+$0x10] =	vst v2  }
0x82: {  	v2 =	vld [tilespmem:s19+$0xFFFFFFF0];
	_ =	sdelay $0x4  }
0x83: {  	v2 =	vadd.s32 v0, v2  }
0x84: {  	v3 =	vshll.u32 v2, $0x3;
	v2 =	vand.u32 $0x7F, v2  }
0x85: {  	v3 =	vand.u32 $0xFFFFFC00, v3;
	v2 =	vor.u32 v1, v2  }
0x86: {  	v2 =	vadd.s32 v3, v2  }
0x87: {  	[tilespmem:s31+$0x20] =	vst v2  }
0x88: {  	v2 =	vld [tilespmem:s19+$0x0];
	_ =	sdelay $0x4  }
.Ltmp5:
0x89: {  	v2 =	vadd.s32 v0, v2;
	(pc) =	sbr.rel .LBB2_4-.Ltmp5, $4  }
0x8a: {  	v3 =	vshll.u32 v2, $0x3;
	v2 =	vand.u32 $0x7F, v2  }
0x8b: {  	v3 =	vand.u32 $0xFFFFFC00, v3;
	v2 =	vor.u32 v1, v2  }
0x8c: {  	v2 =	vadd.s32 v3, v2  }
0x8d: {  	s17 =	sadd.s32 $0x1, s17;
	s15 =	sadd.s32 $0x200, s15;
	s16 =	sadd.s32 $0x200, s16;
	[tilespmem:s31+$0x30] =	vst v2  }
.LBB2_9:
0x8e: {  	_ =	sfence.sel $0x180000  }
0x8f: {  	[bflag:$0x0] =	sbarrier.arrive $0xFFFF  }
0x90: {  	p0 =	sne.s32 s1, $0x0;
	_ =	strace $0x90000047  }
0x91: {  	s0 =	sadd.s32 @!p0 $0x100000, s0;
	[bflag:$0x2] =	sbarrier.arrive $0xFFFF  }
0x92: {  	[sflag:s0] =	ssyncadd.tile.s32 @!p0 $0x1;
	_ =	shalt  }
.Lfunc_end2:
_tile_overlayer_lowered:
.L_overlay_start_2:
0x93: {  	(tag) =	ssettag $0x2  }
0x94: {  	s0 =	rddreg [dreg:$0x0];
	s2 =	stileid.u32  }
0x95: {  	s1 =	rddreg [dreg:$0x1];
	p0 =	sne.s32 s2, $0x0  }
0x96: {  	s3 =	rddreg [dreg:$0x2];
	[bflag:$0x3] =	sbarrier.arrive $0xFFFF;
	s2 =	simm.s32 @!p0 $0x1C02  }
0x97: {  	[timem:s3], [sflag:s2] =	dma.local @!p0 [hbm:s0], s1  }
0x98: {  	s0 =	simm.s32 @!p0 $0x2  }
0x99: {  	_ =	swait.ge @!p0 [sflag:s0], s1  }
0x9a: {  	s1 =	ssub.s32 @!p0 $0x0, s1;
	[sflag:s0] =	ssyncset.done @!p0 $0x0  }
0x9b: {  	[sflag:s0] =	ssyncadd.s32 @!p0 s1  }
0x9c: {  	[bflag:$0x3] =	sbarrier.arrive $0xFFFF  }
0x9d: {  	_ =	shalt  }

</sc_bundles>
